<compile_context>
chip_gen: v7x
topology: tpu7x:2x2x1
jax: 0.10.2.dev20260603
libtpu: 0.0.44.dev20260713+nightly
codegen_flags: <defaults>
</compile_context>

<pallas_src>
import functools

import jax
import jax.numpy as jnp
from jax import lax
from jax.experimental import pallas as pl
from jax.experimental.pallas import tpu as pltpu
from jax.experimental.pallas import tpu_sc as plsc

_NUM_CODES = 8192
_CODE_DIM = 32
_BETA = 0.25
_BZ = 1024
_BE = 2048

_SC_CORES = 2
_SC_SUBCORES = 16
_SC_WORKERS = _SC_CORES * _SC_SUBCORES
_SC_CHUNK = 128


def _dist_argmin_body(z_ref, e_ref, z2_ref, e2_ref, idx_ref, loss_ref,
                      best_val, best_losf, best_idx, acc):
    i = pl.program_id(0)
    j = pl.program_id(1)
    mm = lax.dot_general(e_ref[...], z_ref[...], (((1,), (1,)), ((), ())),
                         preferred_element_type=jnp.float32)
    dist = (e2_ref[...].reshape(_BE, 1) + z2_ref[...].reshape(1, _BZ)) - 2.0 * mm
    lmin = jnp.min(dist, axis=0)
    iota = lax.broadcasted_iota(jnp.int32, (_BE, _BZ), 0) + j * _BE
    larg = jnp.min(jnp.where(dist == lmin[None, :], iota, jnp.int32(2**30)),
                   axis=0)

    @pl.when(j == 0)
    def _():
        best_val[...] = lmin.astype(jnp.bfloat16)
        best_losf[...] = lmin
        best_idx[...] = larg

    @pl.when(j != 0)
    def _():
        bv = best_val[...].astype(jnp.float32)
        upd = lmin < bv
        best_val[...] = jnp.where(upd, lmin, bv).astype(jnp.bfloat16)
        best_losf[...] = jnp.where(upd, lmin, best_losf[...])
        best_idx[...] = jnp.where(upd, larg, best_idx[...])

    @pl.when(j == pl.num_programs(1) - 1)
    def _():
        idx_ref[...] = best_idx[...]

        @pl.when(i == 0)
        def _():
            acc[0] = 0.0

        acc[0] += jnp.sum(best_losf[...])

        @pl.when(i == pl.num_programs(0) - 1)
        def _():
            loss_ref[0] = acc[0]


def _dist_argmin(z_bf, e_bf, z2, e2):
    n = z_bf.shape[0]
    grid = (n // _BZ, _NUM_CODES // _BE)
    return pl.pallas_call(
        _dist_argmin_body,
        grid=grid,
        in_specs=[
            pl.BlockSpec((_BZ, _CODE_DIM), lambda i, j: (i, 0)),
            pl.BlockSpec((_BE, _CODE_DIM), lambda i, j: (j, 0)),
            pl.BlockSpec((_BZ,), lambda i, j: (i,)),
            pl.BlockSpec((_BE,), lambda i, j: (j,)),
        ],
        out_specs=[
            pl.BlockSpec((_BZ,), lambda i, j: (i,)),
            pl.BlockSpec(memory_space=pltpu.SMEM),
        ],
        out_shape=[
            jax.ShapeDtypeStruct((n,), jnp.int32),
            jax.ShapeDtypeStruct((1,), jnp.float32),
        ],
        scratch_shapes=[
            pltpu.VMEM((_BZ,), jnp.bfloat16),
            pltpu.VMEM((_BZ,), jnp.float32),
            pltpu.VMEM((_BZ,), jnp.int32),
            pltpu.SMEM((1,), jnp.float32),
        ],
    )(z_bf, e_bf, z2, e2)


def _make_sc_gather(n_rows):
    b_per_w = n_rows // _SC_WORKERS
    mesh = plsc.VectorSubcoreMesh(core_axis_name="c", subcore_axis_name="s")

    @functools.partial(
        pl.kernel,
        mesh=mesh,
        out_type=jax.ShapeDtypeStruct((n_rows, _CODE_DIM), jnp.float32),
        scratch_types=[
            pltpu.VMEM((b_per_w,), jnp.int32),
            pltpu.VMEM((b_per_w, _CODE_DIM), jnp.float32),
            pltpu.SemaphoreType.DMA,
        ],
        compiler_params=pltpu.CompilerParams(use_tc_tiling_on_sc=False),
    )
    def gather(table_hbm, idx_hbm, out_hbm, idx_v, rows_v, sem):
        wid = lax.axis_index("s") * _SC_CORES + lax.axis_index("c")
        base = wid * b_per_w
        pltpu.sync_copy(idx_hbm.at[pl.ds(base, b_per_w)], idx_v)
        for c in range(b_per_w // _SC_CHUNK):
            pltpu.async_copy(
                table_hbm.at[idx_v.at[pl.ds(c * _SC_CHUNK, _SC_CHUNK)]],
                rows_v.at[pl.ds(c * _SC_CHUNK, _SC_CHUNK)],
                sem,
            ).wait()
        pltpu.sync_copy(rows_v, out_hbm.at[pl.ds(base, b_per_w)])

    return gather


def kernel(z_e, codebook):
    B, D, H, W = z_e.shape
    z_flat = jnp.transpose(z_e, (0, 2, 3, 1)).reshape(-1, D)
    z2 = (z_flat ** 2).sum(axis=1)
    e2 = (codebook ** 2).sum(axis=1)
    z_bf = z_flat.astype(jnp.bfloat16)
    e_bf = codebook.astype(jnp.bfloat16)
    idx_flat, loss_sum = _dist_argmin(z_bf, e_bf, z2, e2)
    z_q_flat = _make_sc_gather(z_flat.shape[0])(codebook, idx_flat)
    z_q = z_q_flat.reshape(B, H, W, D).transpose(0, 3, 1, 2)
    loss = loss_sum[0] / z_e.size
    vq_loss = loss + _BETA * loss
    z_q_st = z_e + lax.stop_gradient(z_q - z_e)
    indices_map = idx_flat.reshape(B, H, W)
    return (z_q_st, indices_map, vq_loss)

# --- scband reference (transcript-rebuilt; emitter-appended) ---
"""Pipeline reference for scband-vector-quantizer-17188459119103 (READ-ONLY COPY).

The authoritative reference and input builder live on the scoring server;
editing this copy changes nothing except your own understanding.
"""

import jax, jax.numpy as jnp
import numpy as np

NUM_CODES = 8192
CODE_DIM = 32
BETA = 0.25


def setup_inputs(seed: int = 0) -> dict:
    key = jax.random.key(seed)
    k1, k2 = jax.random.split(key)
    z_e = jax.random.normal(k1, (8, CODE_DIM, 32, 32), dtype=jnp.float32)
    codebook = jax.random.uniform(
        k2, (NUM_CODES, CODE_DIM), dtype=jnp.float32,
        minval=-1.0 / NUM_CODES, maxval=1.0 / NUM_CODES,
    )
    return {"z_e": z_e, "codebook": codebook}


def reference(z_e, codebook):
    B, D, H, W = z_e.shape
    z_flat = jnp.transpose(z_e, (0, 2, 3, 1)).reshape(-1, D)
    e = codebook
    z2 = (z_flat ** 2).sum(axis=1, keepdims=True)
    e2 = (e ** 2).sum(axis=1)[None, :]
    ze = 2.0 * (z_flat @ e.T)
    dist = z2 + e2 - ze
    indices = jnp.argmin(dist, axis=1)
    z_q = jnp.take(codebook, indices, axis=0).reshape(B, H, W, D).transpose(0, 3, 1, 2)
    codebook_loss = jnp.mean((z_q - jax.lax.stop_gradient(z_e)) ** 2)
    commit_loss = jnp.mean((z_e - jax.lax.stop_gradient(z_q)) ** 2)
    vq_loss = codebook_loss + BETA * commit_loss
    z_q_st = z_e + jax.lax.stop_gradient(z_q - z_e)
    indices_map = indices.reshape(B, H, W)
    return (z_q_st, indices_map, vq_loss)

if __name__ == "__main__":
    import jax
    _d = setup_inputs()
    print(jax.jit(kernel)(*tuple(_d.values())))

</pallas_src>

<mosaic_0001>
#map = affine_map<(d0, d1) -> (0, 0)>
#map1 = affine_map<(d0, d1) -> (0)>
module attributes {stable_mosaic.version = 14 : i64} {
  func.func @gather(%arg0: i32, %arg1: i32, %arg2: memref<8192x32xf32, #tpu.memory_space<hbm>>, %arg3: memref<8192xi32, #tpu.memory_space<hbm>>, %arg4: memref<8192x32xf32, #tpu.memory_space<hbm>>, %arg5: memref<256xi32, #tpu.memory_space<vmem>>, %arg6: memref<256x32xf32, #tpu.memory_space<vmem>>, %arg7: memref<!tpu.dma_semaphore, #tpu.memory_space<semaphore_mem>>) attributes {dimension_semantics = [#tpu.dimension_semantics<core_parallel>, #tpu.dimension_semantics<subcore_parallel>], iteration_bounds = array<i64: 2, 16>, scalar_prefetch = 0 : i64, scratch_operands = 3 : i64, tpu.core_type = #tpu.core_type<sc_vector_subcore>, window_params = [{transform_indices = #map}, {transform_indices = #map1}, {transform_indices = #map}]} {
    %mul3A = arith.constant 2 : i32
    %mul3A_0 = arith.muli %arg1, %mul3A : i32
    %add3A = arith.addi %mul3A_0, %arg0 : i32
    %mul3A_1 = arith.constant 256 : i32
    %mul3A_2 = arith.muli %add3A, %mul3A_1 : i32
    "tpu.region"() ({
      %run_scoped3A = tpu.sem_alloc : memref<!tpu.dma_semaphore, #tpu.memory_space<semaphore_mem>>
      %dma_start3A_33 = tpu.memref_slice %arg3[%mul3A_2] : memref<8192xi32, #tpu.memory_space<hbm>> -> memref<256xi32, #tpu.memory_space<hbm>>
      %dma_start3A_34 = tpu.memref_slice %arg3[%mul3A_2] : memref<8192xi32, #tpu.memory_space<hbm>> -> memref<256xi32, #tpu.memory_space<hbm>>
      tpu.enqueue_dma source(%dma_start3A_34 : memref<256xi32, #tpu.memory_space<hbm>>) target(%arg5 : memref<256xi32, #tpu.memory_space<vmem>>) target_semaphore(%run_scoped3A : memref<!tpu.dma_semaphore, #tpu.memory_space<semaphore_mem>>)
      %dma_wait3A_35 = tpu.memref_slice %arg3[%mul3A_2] : memref<8192xi32, #tpu.memory_space<hbm>> -> memref<256xi32, #tpu.memory_space<hbm>>
      %dma_wait3A_36 = tpu.memref_slice %arg3[%mul3A_2] : memref<8192xi32, #tpu.memory_space<hbm>> -> memref<256xi32, #tpu.memory_space<hbm>>
      tpu.wait_dma2 semaphore(%run_scoped3A : memref<!tpu.dma_semaphore, #tpu.memory_space<semaphore_mem>>) src(%dma_wait3A_36 : memref<256xi32, #tpu.memory_space<hbm>>) dst(%arg5 : memref<256xi32, #tpu.memory_space<vmem>>)
      tpu.yield
    }) : () -> ()
    %dma_start3A = arith.constant 0 : i32
    %dma_start3A_3 = arith.constant 0 : i32
    %dma_start3A_4 = tpu.memref_slice %arg6[%dma_start3A, %dma_start3A_3] : memref<256x32xf32, #tpu.memory_space<vmem>> -> memref<128x32xf32, #tpu.memory_space<vmem>>
    %dma_start3A_5 = arith.constant 0 : i32
    %dma_start3A_6 = tpu.memref_slice %arg5[%dma_start3A_5] : memref<256xi32, #tpu.memory_space<vmem>> -> memref<128xi32, #tpu.memory_space<vmem>>
    %dma_start3A_7 = arith.constant 0 : i32
    %dma_start3A_8 = arith.constant 0 : i32
    %dma_start3A_9 = tpu.memref_slice %arg2[%dma_start3A_7, %dma_start3A_8] : memref<8192x32xf32, #tpu.memory_space<hbm>> -> memref<8192x32xf32, #tpu.memory_space<hbm>>
    tpu.enqueue_indirect_dma source(%dma_start3A_9 : memref<8192x32xf32, #tpu.memory_space<hbm>>) target(%dma_start3A_4 : memref<128x32xf32, #tpu.memory_space<vmem>>) offsets(%dma_start3A_6 : memref<128xi32, #tpu.memory_space<vmem>>) semaphore(%arg7 : memref<!tpu.dma_semaphore, #tpu.memory_space<semaphore_mem>>)
    %dma_wait3A = arith.constant 0 : i32
    %dma_wait3A_10 = arith.constant 0 : i32
    %dma_wait3A_11 = tpu.memref_slice %arg6[%dma_wait3A, %dma_wait3A_10] : memref<256x32xf32, #tpu.memory_space<vmem>> -> memref<128x32xf32, #tpu.memory_space<vmem>>
    %dma_wait3A_12 = arith.constant 0 : i32
    %dma_wait3A_13 = tpu.memref_slice %arg5[%dma_wait3A_12] : memref<256xi32, #tpu.memory_space<vmem>> -> memref<128xi32, #tpu.memory_space<vmem>>
    %dma_wait3A_14 = arith.constant 0 : i32
    %dma_wait3A_15 = arith.constant 0 : i32
    %dma_wait3A_16 = tpu.memref_slice %arg2[%dma_wait3A_14, %dma_wait3A_15] : memref<8192x32xf32, #tpu.memory_space<hbm>> -> memref<8192x32xf32, #tpu.memory_space<hbm>>
    tpu.wait_indirect_dma semaphore(%arg7 : memref<!tpu.dma_semaphore, #tpu.memory_space<semaphore_mem>>) src(%dma_wait3A_16 : memref<8192x32xf32, #tpu.memory_space<hbm>>) dst(%dma_wait3A_11 : memref<128x32xf32, #tpu.memory_space<vmem>>)
    %dma_start3A_17 = arith.constant 128 : i32
    %dma_start3A_18 = arith.constant 0 : i32
    %dma_start3A_19 = tpu.memref_slice %arg6[%dma_start3A_17, %dma_start3A_18] : memref<256x32xf32, #tpu.memory_space<vmem>> -> memref<128x32xf32, #tpu.memory_space<vmem>>
    %dma_start3A_20 = arith.constant 128 : i32
    %dma_start3A_21 = tpu.memref_slice %arg5[%dma_start3A_20] : memref<256xi32, #tpu.memory_space<vmem>> -> memref<128xi32, #tpu.memory_space<vmem>>
    %dma_start3A_22 = arith.constant 0 : i32
    %dma_start3A_23 = arith.constant 0 : i32
    %dma_start3A_24 = tpu.memref_slice %arg2[%dma_start3A_22, %dma_start3A_23] : memref<8192x32xf32, #tpu.memory_space<hbm>> -> memref<8192x32xf32, #tpu.memory_space<hbm>>
    tpu.enqueue_indirect_dma source(%dma_start3A_24 : memref<8192x32xf32, #tpu.memory_space<hbm>>) target(%dma_start3A_19 : memref<128x32xf32, #tpu.memory_space<vmem>>) offsets(%dma_start3A_21 : memref<128xi32, #tpu.memory_space<vmem>>) semaphore(%arg7 : memref<!tpu.dma_semaphore, #tpu.memory_space<semaphore_mem>>)
    %dma_wait3A_25 = arith.constant 128 : i32
    %dma_wait3A_26 = arith.constant 0 : i32
    %dma_wait3A_27 = tpu.memref_slice %arg6[%dma_wait3A_25, %dma_wait3A_26] : memref<256x32xf32, #tpu.memory_space<vmem>> -> memref<128x32xf32, #tpu.memory_space<vmem>>
    %dma_wait3A_28 = arith.constant 128 : i32
    %dma_wait3A_29 = tpu.memref_slice %arg5[%dma_wait3A_28] : memref<256xi32, #tpu.memory_space<vmem>> -> memref<128xi32, #tpu.memory_space<vmem>>
    %dma_wait3A_30 = arith.constant 0 : i32
    %dma_wait3A_31 = arith.constant 0 : i32
    %dma_wait3A_32 = tpu.memref_slice %arg2[%dma_wait3A_30, %dma_wait3A_31] : memref<8192x32xf32, #tpu.memory_space<hbm>> -> memref<8192x32xf32, #tpu.memory_space<hbm>>
    tpu.wait_indirect_dma semaphore(%arg7 : memref<!tpu.dma_semaphore, #tpu.memory_space<semaphore_mem>>) src(%dma_wait3A_32 : memref<8192x32xf32, #tpu.memory_space<hbm>>) dst(%dma_wait3A_27 : memref<128x32xf32, #tpu.memory_space<vmem>>)
    "tpu.region"() ({
      %run_scoped3A = tpu.sem_alloc : memref<!tpu.dma_semaphore, #tpu.memory_space<semaphore_mem>>
      %dma_start3A_33 = arith.constant 0 : i32
      %dma_start3A_34 = tpu.memref_slice %arg4[%mul3A_2, %dma_start3A_33] : memref<8192x32xf32, #tpu.memory_space<hbm>> -> memref<256x32xf32, #tpu.memory_space<hbm>>
      %dma_start3A_35 = arith.constant 0 : i32
      %dma_start3A_36 = tpu.memref_slice %arg4[%mul3A_2, %dma_start3A_35] : memref<8192x32xf32, #tpu.memory_space<hbm>> -> memref<256x32xf32, #tpu.memory_space<hbm>>
      tpu.enqueue_dma source(%arg6 : memref<256x32xf32, #tpu.memory_space<vmem>>) target(%dma_start3A_36 : memref<256x32xf32, #tpu.memory_space<hbm>>) target_semaphore(%run_scoped3A : memref<!tpu.dma_semaphore, #tpu.memory_space<semaphore_mem>>)
      %dma_wait3A_37 = arith.constant 0 : i32
      %dma_wait3A_38 = tpu.memref_slice %arg4[%mul3A_2, %dma_wait3A_37] : memref<8192x32xf32, #tpu.memory_space<hbm>> -> memref<256x32xf32, #tpu.memory_space<hbm>>
      %dma_wait3A_39 = arith.constant 0 : i32
      %dma_wait3A_40 = tpu.memref_slice %arg4[%mul3A_2, %dma_wait3A_39] : memref<8192x32xf32, #tpu.memory_space<hbm>> -> memref<256x32xf32, #tpu.memory_space<hbm>>
      tpu.wait_dma2 semaphore(%run_scoped3A : memref<!tpu.dma_semaphore, #tpu.memory_space<semaphore_mem>>) src(%arg6 : memref<256x32xf32, #tpu.memory_space<vmem>>) dst(%dma_wait3A_40 : memref<256x32xf32, #tpu.memory_space<hbm>>)
      tpu.yield
    }) : () -> ()
    return
  }
}

module attributes {stable_mosaic.version = 14 : i64} {
  func.func @_dist_argmin_body(%arg0: i32, %arg1: i32, %arg2: memref<1024x32xbf16, #tpu.memory_space<vmem>>, %arg3: memref<2048x32xbf16, #tpu.memory_space<vmem>>, %arg4: memref<1024xf32, #tpu.memory_space<vmem>>, %arg5: memref<2048xf32, #tpu.memory_space<vmem>>, %arg6: memref<1024xi32, #tpu.memory_space<vmem>>, %arg7: memref<1xf32, #tpu.memory_space<smem>>, %arg8: memref<1024xbf16, #tpu.memory_space<vmem>>, %arg9: memref<1024xf32, #tpu.memory_space<vmem>>, %arg10: memref<1024xi32, #tpu.memory_space<vmem>>, %arg11: memref<1xf32, #tpu.memory_space<smem>>) attributes {dimension_semantics = [#tpu.dimension_semantics<arbitrary>, #tpu.dimension_semantics<arbitrary>], iteration_bounds = array<i64: 8, 4>, scalar_prefetch = 0 : i64, scratch_operands = 4 : i64, tpu.core_type = #tpu.core_type<tc>, window_params = [{transform_indices = @transform_0, window_bounds = array<i64: 1024, 32>}, {transform_indices = @transform_1, window_bounds = array<i64: 2048, 32>}, {transform_indices = @transform_2, window_bounds = array<i64: 1024>}, {transform_indices = @transform_3, window_bounds = array<i64: 2048>}, {transform_indices = @transform_4, window_bounds = array<i64: 1024>}, {transform_indices = @transform_5, window_bounds = array<i64: 1>}]} {
    %get3A = arith.constant 0 : index
    %get3A_0 = arith.constant 0 : index
    %get3A_1 = vector.load %arg3[%get3A, %get3A_0] : memref<2048x32xbf16, #tpu.memory_space<vmem>>, vector<2048x32xbf16>
    %get3A_2 = arith.constant 0 : index
    %get3A_3 = arith.constant 0 : index
    %get3A_4 = vector.load %arg2[%get3A_2, %get3A_3] : memref<1024x32xbf16, #tpu.memory_space<vmem>>, vector<1024x32xbf16>
    %dot_general3A = arith.constant dense<0.000000e+00> : vector<2048x1024xf32>
    %dot_general3A_5 = tpu.matmul %get3A_1, %get3A_4, %dot_general3A {dimension_numbers = #tpu.dot_dimension_numbers<[1], [1], [0], [0], [0, 0, 1, 0], [], []>, transpose_lhs_hint = false} : vector<2048x32xbf16>, vector<1024x32xbf16>, vector<2048x1024xf32> -> vector<2048x1024xf32>
    %get3A_6 = arith.constant 0 : index
    %get3A_7 = vector.load %arg5[%get3A_6] : memref<2048xf32, #tpu.memory_space<vmem>>, vector<2048xf32>
    %reshape3A = vector.shape_cast %get3A_7 : vector<2048xf32> to vector<2048x1xf32>
    %get3A_8 = arith.constant 0 : index
    %get3A_9 = vector.load %arg4[%get3A_8] : memref<1024xf32, #tpu.memory_space<vmem>>, vector<1024xf32>
    %reshape3A_10 = vector.shape_cast %get3A_9 : vector<1024xf32> to vector<1x1024xf32>
    %add3A = vector.broadcast %reshape3A : vector<2048x1xf32> to vector<2048x1024xf32>
    %add3A_11 = vector.broadcast %reshape3A_10 : vector<1x1024xf32> to vector<2048x1024xf32>
    %add3A_12 = arith.addf %add3A, %add3A_11 : vector<2048x1024xf32>
    %mul3A = arith.constant 2.000000e+00 : f32
    %mul3A_13 = vector.broadcast %mul3A : f32 to vector<2048x1024xf32>
    %mul3A_14 = arith.mulf %mul3A_13, %dot_general3A_5 : vector<2048x1024xf32>
    %sub3A = arith.subf %add3A_12, %mul3A_14 : vector<2048x1024xf32>
    %reduce_min3A = arith.constant dense<0x7F800000> : vector<1024xf32>
    %reduce_min3A_15 = vector.multi_reduction <minimumf>, %sub3A, %reduce_min3A [0] : vector<2048x1024xf32> to vector<1024xf32>
    %iota3A = tpu.iota {dimensions = array<i32: 0>} : vector<2048x1024xi32>
    %mul3A_16 = arith.constant 2048 : i32
    %mul3A_17 = arith.muli %arg1, %mul3A_16 : i32
    %add3A_18 = vector.broadcast %mul3A_17 : i32 to vector<2048x1024xi32>
    %add3A_19 = arith.addi %iota3A, %add3A_18 : vector<2048x1024xi32>
    %broadcast_in_dim3A = vector.shape_cast %reduce_min3A_15 : vector<1024xf32> to vector<1x1024xf32>
    %eq3A = vector.broadcast %broadcast_in_dim3A : vector<1x1024xf32> to vector<2048x1024xf32>
    %eq3A_20 = arith.cmpf oeq, %sub3A, %eq3A : vector<2048x1024xf32>
    %jit3A = arith.constant 1073741824 : i32
    %broadcast_in_dim3A_21 = vector.broadcast %jit3A : i32 to vector<2048x1024xi32>
    %select_n3A = arith.select %eq3A_20, %add3A_19, %broadcast_in_dim3A_21 : vector<2048x1024xi1>, vector<2048x1024xi32>
    %reduce_min3A_22 = arith.constant dense<2147483647> : vector<1024xi32>
    %reduce_min3A_23 = vector.multi_reduction <minsi>, %select_n3A, %reduce_min3A_22 [0] : vector<2048x1024xi32> to vector<1024xi32>
    %eq3A_24 = arith.constant 0 : i32
    %eq3A_25 = arith.cmpi eq, %arg1, %eq3A_24 : i32
    %convert_element_type3A = arith.extui %eq3A_25 : i1 to i32
    %cond3A = arith.constant 0 : i32
    %cond3A_26 = arith.cmpi ne, %convert_element_type3A, %cond3A : i32
    scf.if %cond3A_26 {
      %convert_element_type3A_36 = arith.truncf %reduce_min3A_15 : vector<1024xf32> to vector<1024xbf16>
      %swap3A = arith.constant 0 : index
      %swap3A_37 = vector.load %arg8[%swap3A] : memref<1024xbf16, #tpu.memory_space<vmem>>, vector<1024xbf16>
      tpu.vector_store %arg8[%swap3A], %convert_element_type3A_36 {strides = array<i32>} : memref<1024xbf16, #tpu.memory_space<vmem>>, vector<1024xbf16>,
      %swap3A_38 = arith.constant 0 : index
      %swap3A_39 = vector.load %arg9[%swap3A_38] : memref<1024xf32, #tpu.memory_space<vmem>>, vector<1024xf32>
      tpu.vector_store %arg9[%swap3A_38], %reduce_min3A_15 {strides = array<i32>} : memref<1024xf32, #tpu.memory_space<vmem>>, vector<1024xf32>,
      %swap3A_40 = arith.constant 0 : index
      %swap3A_41 = vector.load %arg10[%swap3A_40] : memref<1024xi32, #tpu.memory_space<vmem>>, vector<1024xi32>
      tpu.vector_store %arg10[%swap3A_40], %reduce_min3A_23 {strides = array<i32>} : memref<1024xi32, #tpu.memory_space<vmem>>, vector<1024xi32>,
    } else {
    }
    %ne3A = arith.constant 0 : i32
    %ne3A_27 = arith.cmpi ne, %arg1, %ne3A : i32
    %convert_element_type3A_28 = arith.extui %ne3A_27 : i1 to i32
    %cond3A_29 = arith.constant 0 : i32
    %cond3A_30 = arith.cmpi ne, %convert_element_type3A_28, %cond3A_29 : i32
    scf.if %cond3A_30 {
      %get3A_36 = arith.constant 0 : index
      %get3A_37 = vector.load %arg8[%get3A_36] : memref<1024xbf16, #tpu.memory_space<vmem>>, vector<1024xbf16>
      %convert_element_type3A_38 = arith.extf %get3A_37 : vector<1024xbf16> to vector<1024xf32>
      %lt3A = arith.cmpf olt, %reduce_min3A_15, %convert_element_type3A_38 : vector<1024xf32>
      %select_n3A_39 = arith.select %lt3A, %reduce_min3A_15, %convert_element_type3A_38 : vector<1024xi1>, vector<1024xf32>
      %convert_element_type3A_40 = arith.truncf %select_n3A_39 : vector<1024xf32> to vector<1024xbf16>
      %swap3A = arith.constant 0 : index
      %swap3A_41 = vector.load %arg8[%swap3A] : memref<1024xbf16, #tpu.memory_space<vmem>>, vector<1024xbf16>
      tpu.vector_store %arg8[%swap3A], %convert_element_type3A_40 {strides = array<i32>} : memref<1024xbf16, #tpu.memory_space<vmem>>, vector<1024xbf16>,
      %get3A_42 = arith.constant 0 : index
      %get3A_43 = vector.load %arg9[%get3A_42] : memref<1024xf32, #tpu.memory_space<vmem>>, vector<1024xf32>
      %select_n3A_44 = arith.select %lt3A, %reduce_min3A_15, %get3A_43 : vector<1024xi1>, vector<1024xf32>
      %swap3A_45 = arith.constant 0 : index
      %swap3A_46 = vector.load %arg9[%swap3A_45] : memref<1024xf32, #tpu.memory_space<vmem>>, vector<1024xf32>
      tpu.vector_store %arg9[%swap3A_45], %select_n3A_44 {strides = array<i32>} : memref<1024xf32, #tpu.memory_space<vmem>>, vector<1024xf32>,
      %get3A_47 = arith.constant 0 : index
      %get3A_48 = vector.load %arg10[%get3A_47] : memref<1024xi32, #tpu.memory_space<vmem>>, vector<1024xi32>
      %select_n3A_49 = arith.select %lt3A, %reduce_min3A_23, %get3A_48 : vector<1024xi1>, vector<1024xi32>
      %swap3A_50 = arith.constant 0 : index
      %swap3A_51 = vector.load %arg10[%swap3A_50] : memref<1024xi32, #tpu.memory_space<vmem>>, vector<1024xi32>
      tpu.vector_store %arg10[%swap3A_50], %select_n3A_49 {strides = array<i32>} : memref<1024xi32, #tpu.memory_space<vmem>>, vector<1024xi32>,
    } else {
    }
    %eq3A_31 = arith.constant 3 : i32
    %eq3A_32 = arith.cmpi eq, %arg1, %eq3A_31 : i32
    %convert_element_type3A_33 = arith.extui %eq3A_32 : i1 to i32
    %cond3A_34 = arith.constant 0 : i32
    %cond3A_35 = arith.cmpi ne, %convert_element_type3A_33, %cond3A_34 : i32
    scf.if %cond3A_35 {
      %get3A_36 = arith.constant 0 : index
      %get3A_37 = vector.load %arg10[%get3A_36] : memref<1024xi32, #tpu.memory_space<vmem>>, vector<1024xi32>
      %swap3A = arith.constant 0 : index
      %swap3A_38 = vector.load %arg6[%swap3A] : memref<1024xi32, #tpu.memory_space<vmem>>, vector<1024xi32>
      tpu.vector_store %arg6[%swap3A], %get3A_37 {strides = array<i32>} : memref<1024xi32, #tpu.memory_space<vmem>>, vector<1024xi32>,
      %eq3A_39 = arith.constant 0 : i32
      %eq3A_40 = arith.cmpi eq, %arg0, %eq3A_39 : i32
      %convert_element_type3A_41 = arith.extui %eq3A_40 : i1 to i32
      %cond3A_42 = arith.constant 0 : i32
      %cond3A_43 = arith.cmpi ne, %convert_element_type3A_41, %cond3A_42 : i32
      scf.if %cond3A_43 {
        %swap3A_60 = arith.constant 0.000000e+00 : f32
        %swap3A_61 = arith.constant 0 : index
        %swap3A_62 = memref.load %arg11[%swap3A_61] : memref<1xf32, #tpu.memory_space<smem>>
        memref.store %swap3A_60, %arg11[%swap3A_61] : memref<1xf32, #tpu.memory_space<smem>>
      } else {
      }
      %get3A_44 = arith.constant 0 : index
      %get3A_45 = memref.load %arg11[%get3A_44] : memref<1xf32, #tpu.memory_space<smem>>
      %get3A_46 = arith.constant 0 : index
      %get3A_47 = vector.load %arg9[%get3A_46] : memref<1024xf32, #tpu.memory_space<vmem>>, vector<1024xf32>
      %reduce_sum3A = vector.shape_cast %get3A_47 : vector<1024xf32> to vector<1x1024xf32>
      %reduce_sum3A_48 = arith.constant dense<0.000000e+00> : vector<1xf32>
      %reduce_sum3A_49 = vector.multi_reduction <add>, %reduce_sum3A, %reduce_sum3A_48 [1] : vector<1x1024xf32> to vector<1xf32>
      %reduce_sum3A_50 = vector.shape_cast %reduce_sum3A_49 : vector<1xf32> to vector<1x1xf32>
      %reduce_sum3A_51 = vector.extract %reduce_sum3A_50[0, 0] : f32 from vector<1x1xf32>
      %add3A_52 = arith.addf %get3A_45, %reduce_sum3A_51 : f32
      %swap3A_53 = arith.constant 0 : index
      %swap3A_54 = memref.load %arg11[%swap3A_53] : memref<1xf32, #tpu.memory_space<smem>>
      memref.store %add3A_52, %arg11[%swap3A_53] : memref<1xf32, #tpu.memory_space<smem>>
      %eq3A_55 = arith.constant 7 : i32
      %eq3A_56 = arith.cmpi eq, %arg0, %eq3A_55 : i32
      %convert_element_type3A_57 = arith.extui %eq3A_56 : i1 to i32
      %cond3A_58 = arith.constant 0 : i32
      %cond3A_59 = arith.cmpi ne, %convert_element_type3A_57, %cond3A_58 : i32
      scf.if %cond3A_59 {
        %get3A_60 = arith.constant 0 : index
        %get3A_61 = memref.load %arg11[%get3A_60] : memref<1xf32, #tpu.memory_space<smem>>
        %swap3A_62 = arith.constant 0 : index
        %swap3A_63 = memref.load %arg7[%swap3A_62] : memref<1xf32, #tpu.memory_space<smem>>
        memref.store %get3A_61, %arg7[%swap3A_62] : memref<1xf32, #tpu.memory_space<smem>>
      } else {
      }
    } else {
    }
    return
  }
  func.func @transform_0(%arg0: i32, %arg1: i32) -> (i32, i32) {
    %c0_i32 = arith.constant 0 : i32
    %c0_i32_0 = arith.constant 0 : i32
    return %arg0, %c0_i32 : i32, i32
  }
  func.func @transform_1(%arg0: i32, %arg1: i32) -> (i32, i32) {
    %c0_i32 = arith.constant 0 : i32
    %c0_i32_0 = arith.constant 0 : i32
    return %arg1, %c0_i32 : i32, i32
  }
  func.func @transform_2(%arg0: i32, %arg1: i32) -> i32 {
    %c0_i32 = arith.constant 0 : i32
    return %arg0 : i32
  }
  func.func @transform_3(%arg0: i32, %arg1: i32) -> i32 {
    %c0_i32 = arith.constant 0 : i32
    return %arg1 : i32
  }
  func.func @transform_4(%arg0: i32, %arg1: i32) -> i32 {
    %c0_i32 = arith.constant 0 : i32
    return %arg0 : i32
  }
  func.func @transform_5(%arg0: i32, %arg1: i32) -> i32 {
    %c0_i32 = arith.constant 0 : i32
    %c0_i32_0 = arith.constant 0 : i32
    return %c0_i32 : i32
  }
}

</mosaic_0001>

<sc_bundles>
// kernel: kernel.4.cloned.1.call-start
scs
__scs_entry_jumppad:
0x0: {  	(pc) =	sbr.rel $0x88, $3  }
0x1: {  	(tag) =	ssettag $0x0;
	lr =	simm.s32 $0x1  }
0x2: {  	[smem:$0x3F9F] =	sst lr;
	_ =	strace $0xD0000000  }
0x3: {  	_ = 	snop  }
0x4: {  	_ = 	snop  }
0x5: {  	_ = 	snop  }
0x6: {  	_ = 	snop  }
0x7: {  	_ = 	snop  }
__scs_overlays_trampoline_lowered:
0x8: {  	[smem:$0x3FAE] =	sst s0  }
0x9: {  	[smem:$0x3FAF] =	sst s1  }
0xa: {  	[smem:$0x3FB0] =	sst s2  }
0xb: {  	[smem:$0x3FB1] =	sst s3  }
0xc: {  	[smem:$0x3FB2] =	sst s4  }
0xd: {  	[smem:$0x3FB3] =	sst s5  }
0xe: {  	[smem:$0x3FB4] =	sst s6  }
0xf: {  	[smem:$0x3FB5] =	sst s7  }
0x10: {  	[smem:$0x3FB6] =	sst s8  }
0x11: {  	[smem:$0x3FB7] =	sst s9;
	s0 =	simm.s32 @!p0 $0x0  }
0x12: {  	s1 =	sld [smem:$0x3F9D];
	s0 =	simm.s32 @p0 $0x1  }
0x13: {  	[smem:$0x3FB8] =	sst s0;
	s0 =	simm.s32 @!p1 $0x0  }
0x14: {  	s2 =	sld [smem:$0x3F9C];
	s0 =	simm.s32 @p1 $0x1  }
0x15: {  	[smem:$0x3FB9] =	sst s0;
	s0 =	simm.s32 @!p2 $0x0  }
0x16: {  	s3 =	sld [smem:$0x3FDB];
	s0 =	simm.s32 @p2 $0x1  }
0x17: {  	s4 =	simm.s32 $0x1BF5;
	[smem:$0x3FBB] =	sst s0  }
0x18: {  	s0 =	sld [smem:$0x3F9E];
	_ =	swait.ge [sflag:s4], $0x0  }
0x19: {  	s7 =	sld [smem:$0x3F9F]  }
0x1a: {  	s8 =	sadd.s32 $0xFFFFE003, lr  }
0x1b: {  	s9 =	sadd.s32 $0xFFFFFEF7, lr;
	s5 =	simm.s32 $0xFFFFFFFF;
	p2 =	slt.u32 s8, $0xFFFFF086  }
0x1c: {  	p1 =	slt.u32 s9, $0xF7A;
	s5 =	simm.s32 @!p2 $0x0  }
0x1d: {  	s5 =	simm.s32 @p1 $0x1;
	p0 =	seq.s32 s7, s2  }
0x1e: {  	s7 =	smul.u32 @!p0 $0xF7A, s2;
	p2 =	seq.s32 @!p0 s5, $0x0  }
0x1f: {  	s9 =	smul.u32 $0xF7A, s1;
	s8 =	simm.s32 @!p0 $0x1BF5;
	p2 =	por !p2, p0  }
0x20: {  	[sflag:s8] =	ssyncset.s32 @!p0 $0xFFFFF086;
	s6 =	sadd.s32 @!p0 s3, s7;
	s7 =	simm.s32 @!p0 $0x108  }
0x21: {  	s3 =	sadd.s32 s3, s9;
	s6 =	sadd.s32 @!p0 $0x88, s6;
	s7 =	simm.s32 @p2 $0x1082  }
0x22: {  	[simem:s7], [sflag:s8] =	dma.local @!p0 [hbm:s6], $0xF7A  }
0x23: {  	s9 =	sor.u32 $0xD0000000, s2;
	s6 =	simm.s32 $0x108;
	_ =	swait.ge @!p0 [sflag:s8], $0x0  }
0x24: {  	s3 =	sadd.s32 $0x88, s3;
	s6 =	simm.s32 @!p1 $0x1082;
	[sflag:s4] =	ssyncset.s32 $0xFFFFF086  }
0x25: {  	[simem:s6], [sflag:s4] =	dma.local [hbm:s3], $0xF7A  }
0x26: {  	[smem:$0x3F9F] =	sst s1;
	(tag) =	ssettag s2;
	_ =	strace s9  }
0x27: {  	s1 =	sld [smem:$0x3FAF]  }
0x28: {  	s2 =	sld [smem:$0x3FB0]  }
0x29: {  	s4 =	sld [smem:$0x3FB2]  }
0x2a: {  	p0 =	seq.s32 s5, $0x0;
	s5 =	sld [smem:$0x3FB3]  }
0x2b: {  	s6 =	sld [smem:$0x3FB4]  }
0x2c: {  	s7 =	sld [smem:$0x3FB5]  }
0x2d: {  	s3 =	simm.s32 $0x108;
	s8 =	sld [smem:$0x3FB6]  }
0x2e: {  	s3 =	simm.s32 @!p0 $0x1082;
	s9 =	sld [smem:$0x3FB7]  }
0x2f: {  	lr =	sadd.s32 s0, s3;
	s0 =	sld [smem:$0x3FAE]  }
0x30: {  	s3 =	sld [smem:$0x3FB1]  }
0x31: {  	[smem:$0x3FBA] =	sst s10  }
0x32: {  	s10 =	sld [smem:$0x3FB8];
	_ =	sdelay $0x3  }
0x33: {  	p0 =	seq.s32 s10, $0x1;
	s10 =	sld [smem:$0x3FBA];
	_ =	sdelay $0x3  }
0x34: {  	[smem:$0x3FBA] =	sst s10  }
0x35: {  	s10 =	sld [smem:$0x3FB9];
	_ =	sdelay $0x3  }
0x36: {  	p1 =	seq.s32 s10, $0x1;
	s10 =	sld [smem:$0x3FBA];
	_ =	sdelay $0x3  }
0x37: {  	[smem:$0x3FBA] =	sst s10  }
0x38: {  	s10 =	sld [smem:$0x3FBB]  }
0x39: {  	_ = 	snop;
	(pc) =	sbr.ind lr, $3  }
0x3a: {  	_ = 	snop  }
0x3b: {  	_ = 	snop  }
0x3c: {  	p2 =	seq.s32 s10, $0x1;
	s10 =	sld [smem:$0x3FBA]  }
0x3d: {  	_ =	shalt  }
0x3e: {  	_ =	shalt  }
0x3f: {  	_ =	shalt  }
0x40: {  	_ =	shalt  }
0x41: {  	_ =	shalt  }
0x42: {  	_ =	shalt  }
0x43: {  	_ =	shalt  }
0x44: {  	_ =	shalt  }
0x45: {  	_ =	shalt  }
0x46: {  	_ =	shalt  }
0x47: {  	_ =	shalt  }
0x48: {  	_ =	shalt  }
0x49: {  	_ =	shalt  }
0x4a: {  	_ =	shalt  }
0x4b: {  	_ =	shalt  }
0x4c: {  	_ =	shalt  }
0x4d: {  	_ =	shalt  }
0x4e: {  	_ =	shalt  }
0x4f: {  	_ =	shalt  }
0x50: {  	_ =	shalt  }
0x51: {  	_ =	shalt  }
0x52: {  	_ =	shalt  }
0x53: {  	_ =	shalt  }
0x54: {  	_ =	shalt  }
0x55: {  	_ =	shalt  }
0x56: {  	_ =	shalt  }
0x57: {  	_ =	shalt  }
0x58: {  	_ =	shalt  }
0x59: {  	_ =	shalt  }
0x5a: {  	_ =	shalt  }
0x5b: {  	_ =	shalt  }
0x5c: {  	_ =	shalt  }
0x5d: {  	_ =	shalt  }
0x5e: {  	_ =	shalt  }
0x5f: {  	_ =	shalt  }
0x60: {  	_ =	shalt  }
0x61: {  	_ =	shalt  }
0x62: {  	_ =	shalt  }
0x63: {  	_ =	shalt  }
0x64: {  	_ =	shalt  }
0x65: {  	_ =	shalt  }
0x66: {  	_ =	shalt  }
0x67: {  	_ =	shalt  }
0x68: {  	_ =	shalt  }
0x69: {  	_ =	shalt  }
0x6a: {  	_ =	shalt  }
0x6b: {  	_ =	shalt  }
0x6c: {  	_ =	shalt  }
0x6d: {  	_ =	shalt  }
0x6e: {  	_ =	shalt  }
0x6f: {  	_ =	shalt  }
0x70: {  	_ =	shalt  }
0x71: {  	_ =	shalt  }
0x72: {  	_ =	shalt  }
0x73: {  	_ =	shalt  }
0x74: {  	_ =	shalt  }
0x75: {  	_ =	shalt  }
0x76: {  	_ =	shalt  }
0x77: {  	_ =	shalt  }
0x78: {  	_ =	shalt  }
0x79: {  	_ =	shalt  }
0x7a: {  	_ =	shalt  }
0x7b: {  	_ =	shalt  }
0x7c: {  	_ =	shalt  }
0x7d: {  	_ =	shalt  }
0x7e: {  	_ =	shalt  }
0x7f: {  	_ =	shalt  }
0x80: {  	_ =	shalt  }
0x81: {  	_ =	shalt  }
0x82: {  	_ =	shalt  }
0x83: {  	_ =	shalt  }
0x84: {  	_ =	shalt  }
0x85: {  	_ =	shalt  }
0x86: {  	_ =	shalt  }
0x87: {  	_ =	shalt  }
.Lfunc_end0:
.L_simem_size_0:
called_computation_lowered:
.L_overlay_start_0:
0x88: {  	s2 =	sld [smem:$0x3FD9]  }
0x89: {  	s3 =	sld [smem:$0x3FFE];
	_ =	sdelay $0x1  }
0x8a: {  	s1 =	srdreg.scid  }
0x8b: {  	s0 =	sand.u32 $0x1, s1  }
0x8c: {  	s14 =	sshll.u32 s0, $0xA;
	s2 =	sadd.s32 s3, s2  }
0x8d: {  	s2 =	sadd.s32 s2, s14  }
0x8e: {  	[smem:$0x3FC6] =	sst s2  }
0x8f: {  	_ = 	snop  }
0x90: {  	s2 =	sld [smem:$0x3FD0];
	_ =	sdelay $0x2  }
0x91: {  	s15 =	simm.s32 $0xA;
	s4 =	simm.s32 $0x10  }
0x92: {  	[smem:s4], [sflag:s15] =	dma.local [hbm:s2], $0x1  }
0x93: {  	_ =	swait.eq [sflag:s15], $0x1  }
0x94: {  	[sflag:s15] =	ssyncset.done $0x0  }
0x95: {  	[sflag:s15] =	ssyncadd.s32 $0xFFFFFFFF  }
0x96: {  	s16 =	sld [smem:$0x10];
	(tm) =	ssettm $0x1  }
0x97: {  	s17 =	sld [smem:$0x3FFB];
	_ =	sdelay $0x3  }
0x98: {  	_ =	strace s17  }
0x99: {  	s3 =	sld [smem:$0x3FFC];
	_ =	sdelay $0x3  }
0x9a: {  	_ =	strace s3  }
0x9b: {  	s3 =	sld [smem:$0x3FFD];
	_ =	sdelay $0x3  }
0x9c: {  	_ =	strace s3  }
0x9d: {  	_ =	strace $0x8FFFFFFF  }
0x9e: {  	s18 =	sld [smem:$0x3FDB];
	_ =	sdelay $0x1  }
0x9f: {  	s19 =	simm.s32 $_scs_section_size  }
0xa0: {  	s5 =	simm.s32 $_size__tile_overlayer_lowered;
	s6 =	simm.s32 $_tile_overlayer_lowered  }
0xa1: {  	s22 =	simm.s32 $0x1BFF;
	s21 =	sshll.u32 s6, $0x1;
	s3 =	sadd.s32 s19, s18  }
0xa2: {  	s7 =	simm.s32 $0x0;
	s20 =	sshll.u32 s5, $0x1;
	s5 =	sadd.s32 s21, s3  }
0xa3: {  	[timem:s7], [sflag:s22] =	dma.local [hbm:s5], s20  }
0xa4: {  	_ =	swait.ge [sflag:s22], s20  }
0xa5: {  	s4 =	ssub.s32 $0x0, s20;
	[sflag:s22] =	ssyncset.done $0x0  }
0xa6: {  	[sflag:s22] =	ssyncadd.s32 s4;
	_ =	sdelay $0x1  }
0xa7: {  	s23 =	simm.s32 $0x1B8B  }
0xa8: {  	_ =	swait.ge [sflag:s23], $0x1  }
0xa9: {  	[sflag:s23] =	ssyncset.done $0x0  }
0xaa: {  	s25 =	simm.s32 $0x1B8E;
	s24 =	sld [smem:$0x3FFE];
	[sflag:s23] =	ssyncadd.s32 $0xFFFFFFFF  }
0xab: {  	s26 =	simm.s32 $execute0_lowered;
	[smem:$0x3FD2] =	sst s25  }
0xac: {  	s5 =	sshll.u32 s26, $0x1;
	_ =	strace $0x80000046;
	[dreg:$0x1] =	wrdreg $0xFFFFFFFF  }
0xad: {  	s28 =	simm.s32 $_size_execute0_lowered;
	s3 =	sadd.s32 s3, s5;
	[dreg:$0x0] =	wrdreg $0x0  }
0xae: {  	s5 =	sshll.u32 s28, $0x1;
	[dreg:$0x2] =	wrdreg s3  }
0xaf: {  	[dreg:$0x3] =	wrdreg s5  }
0xb0: {  	[dreg:$0x4] =	wrdreg $0xC0  }
0xb1: {  	_ =	task [dreg:s7], $0x5FFFF  }
0xb2: {  	[dreg:$0x1] =	wrdreg $0xFFFFFFFF  }
0xb3: {  	[dreg:$0x0] =	wrdreg $0x60  }
0xb4: {  	[dreg:$0x2] =	wrdreg s16  }
0xb5: {  	[dreg:$0x3] =	wrdreg s24  }
0xb6: {  	[dreg:$0x4] =	wrdreg $0x9  }
0xb7: {  	_ =	task.clear_ibuf [dreg:s7], $0x5FFFF;
	_ =	strace $0x90000046  }
0xb8: {  	s29 =	simm.s32 $0x9;
	_ =	strace $0x80000048  }
0xb9: {  	_ =	swait.ge [sflag:s29], $0x1  }
0xba: {  	[sflag:s29] =	ssyncadd.s32 $0xFFFFFFFF  }
0xbb: {  	_ =	strace $0x90000048  }
0xbc: {  	_ =	sfence  }
0xbd: {  	s30 =	sld [smem:$0x0];
	_ =	sdelay $0x2  }
0xbe: {  	s31 =	sshll.u32 s1, $0xD;
	s1 =	sshrl.u32 s1, $0x2  }
0xbf: {  	s3 =	sand.u32 $0x4000, s31;
	s1 =	sadd.s32 s1, s30  }
0xc0: {  	s0 =	sor.u32 s3, s0;
	s1 =	sshll.u32 s1, $0x11  }
0xc1: {  	s0 =	sor.u32 s1, s0  }
0xc2: {  	s0 =	sadd.s32 $0x8F2B, s0  }
0xc3: {  	[sflag:s0] =	ssyncadd.remote.s32 $0x1  }
0xc4: {  	_ =	sfence.sel $0xFFFF  }
0xc5: {  	[dreg:$0x0] =	wrdreg $0xFFFFFFFF;
	(pc) =	sbr.abs _section_cstart, $3  }
0xc6: {  	[dreg:$0x1] =	wrdreg $0xFFFFFFFF  }
0xc7: {  	_ =	task.clear_ibuf [dreg:s7], $0x2FFFF;
	_ =	strace $0x9FFFFFFF  }
0xc8: {  	(tm) =	ssettm $0x7FFFFFFF  }
0xc9: {  	_ =	shalt  }
tec
execute0_lowered:
.L_overlay_start_1:
0x0: {  	(tag) =	ssettag $0x1  }
0x1: {  	s1 =	srdreg.scid  }
0x2: {  	s0 =	stileid.u32;
	s9 =	sand.u32 $0x1, s1  }
0x3: {  	s2 =	rddreg [dreg:$0x0];
	s30 =	sshll.u32 s0, $0x9;
	s3 =	sshll.u32 s9, $0x8  }
0x4: {  	s10 =	rddreg [dreg:$0x1];
	s11 =	sor.u32 s3, s30  }
0x5: {  	s1 =	rddreg [dreg:$0x2];
	s3 =	simm.s32 $0x0;
	s4 =	sshrl.u32 s11, $0x3  }
0x6: {  	[smem:$0x7FF] =	sst s3;
	s4 =	sadd.s32 s4, s10  }
0x7: {  	_ =	strace $0x80000047;
	s5 =	sadd.s32 $0x600, s4;
	s4 =	simm.s32 $0x2  }
0x8: {  	[tilespmem:s3], [sflag:$0x2] =	stream.linear.gather [hbm4b:s5+s3], $0x100, $0x38;
	[tilespmem:$0x2100] =	vst v63  }
0x9: {  	_ =	swait.ge [sflag:s4], $0x100  }
0xa: {  	s6 =	simm.s32 $0x80;
	s7 =	simm.s32 $0x100;
	[sflag:s4] =	ssyncset.done $0x0  }
0xb: {  	s8 =	simm.s32 $0x1;
	s12 =	ssub.s32 $0x2, s9;
	[sflag:s4] =	ssyncadd.s32 $0xFFFFFF00  }
0xc: {  	[tilespmem:s7], [sflag:$0x1] =	stream.indirect.gather [hbm4b:s2+s6], $0x20, s3, s6, $0xb8;
	[tilespmem:$0x2100] =	vst v63  }
0xd: {  	s9 =	simm.s32 $0x1100;
	s13 =	sshrl.u32 s12, $0x1;
	_ =	swait.ge [sflag:s8], $0x1000  }
0xe: {  	s11 =	sshll.u32 s11, $0x2;
	s31 =	ssub.s32 s12, s13;
	[sflag:s8] =	ssyncset.done $0x0  }
0xf: {  	s10 =	sadd.s32 s11, s10;
	s11 =	smax.u32 s31, $0x1;
	[sflag:s8] =	ssyncadd.s32 $0xFFFFF000  }
0x10: {  	[tilespmem:s9], [sflag:$0x1] =	stream.indirect.gather [hbm4b:s2+s6], $0x20, s6, s6, $0xb8;
	[tilespmem:$0x2100] =	vst v63  }
0x11: {  	p0 =	sne.s32 s11, $0x1;
	_ =	swait.ge [sflag:s8], $0x1000  }
.Ltmp0:
0x12: {  	[sflag:s8] =	ssyncset.done $0x0;
	(pc) =	sbr.rel @!p0 .LBB2_2-.Ltmp0, $4  }
0x13: {  	s10 =	sadd.s32 $0xA00, s10;
	[sflag:s8] =	ssyncadd.s32 $0xFFFFF000  }
0x14: {  	[hbm4b:s10+s3] =	stream.linear.scatter [tilespmem:s7], [sflag:$0x2], $0x2000, $0x38;
	[tilespmem:$0x2100] =	vst v63  }
0x15: {  	_ =	swait.ge [sflag:s4], $0x2000  }
0x16: {  	s11 =	sadd.s32 $0xFFFFFFFF, s11;
	[sflag:s4] =	ssyncset.done $0x0  }
.LBB2_1:
0x17: {  	p0 =	sne.s32 s11, $0x1;
	s11 =	sadd.s32 $0xFFFFFFFF, s11;
	[sflag:s4] =	ssyncadd.s32 $0xFFFFE000  }
0x18: {  	[tilespmem:s3], [sflag:$0x2] =	stream.linear.gather [hbm4b:s5+s3], $0x100, $0x38;
	[tilespmem:$0x2100] =	vst v63  }
0x19: {  	_ =	swait.ge [sflag:s4], $0x100  }
0x1a: {  	[sflag:s4] =	ssyncset.done $0x0  }
0x1b: {  	[sflag:s4] =	ssyncadd.s32 $0xFFFFFF00  }
0x1c: {  	[tilespmem:s7], [sflag:$0x1] =	stream.indirect.gather [hbm4b:s2+s6], $0x20, s3, s6, $0xb8;
	[tilespmem:$0x2100] =	vst v63  }
0x1d: {  	_ =	swait.ge [sflag:s8], $0x1000  }
0x1e: {  	[sflag:s8] =	ssyncset.done $0x0  }
0x1f: {  	[sflag:s8] =	ssyncadd.s32 $0xFFFFF000  }
0x20: {  	[tilespmem:s9], [sflag:$0x1] =	stream.indirect.gather [hbm4b:s2+s6], $0x20, s6, s6, $0xb8;
	[tilespmem:$0x2100] =	vst v63  }
0x21: {  	_ =	swait.ge [sflag:s8], $0x1000  }
.Ltmp1:
0x22: {  	[sflag:s8] =	ssyncset.done $0x0;
	(pc) =	sbr.rel @p0 .LBB2_1-.Ltmp1, $4  }
0x23: {  	[sflag:s8] =	ssyncadd.s32 $0xFFFFF000  }
0x24: {  	[hbm4b:s10+s3] =	stream.linear.scatter [tilespmem:s7], [sflag:$0x2], $0x2000, $0x38;
	[tilespmem:$0x2100] =	vst v63  }
0x25: {  	_ =	swait.ge [sflag:s4], $0x2000  }
0x26: {  	[sflag:s4] =	ssyncset.done $0x0  }
.LBB2_2:
0x27: {  	[sflag:s4] =	ssyncadd.s32 $0xFFFFE000  }
0x28: {  	_ =	sfence.sel $0x180000  }
0x29: {  	[bflag:$0x0] =	sbarrier.arrive $0xFFFF  }
0x2a: {  	p0 =	sne.s32 s0, $0x0;
	_ =	strace $0x90000047  }
0x2b: {  	s0 =	sadd.s32 @!p0 $0x100000, s1;
	[bflag:$0x2] =	sbarrier.arrive $0xFFFF  }
0x2c: {  	[sflag:s0] =	ssyncadd.tile.s32 @!p0 $0x1;
	_ =	shalt  }
.Lfunc_end2:
_tile_overlayer_lowered:
.L_overlay_start_2:
0x2d: {  	(tag) =	ssettag $0x2  }
0x2e: {  	s0 =	rddreg [dreg:$0x0];
	s2 =	stileid.u32  }
0x2f: {  	s1 =	rddreg [dreg:$0x1];
	p0 =	sne.s32 s2, $0x0  }
0x30: {  	s3 =	rddreg [dreg:$0x2];
	[bflag:$0x3] =	sbarrier.arrive $0xFFFF;
	s2 =	simm.s32 @!p0 $0x1C02  }
0x31: {  	[timem:s3], [sflag:s2] =	dma.local @!p0 [hbm:s0], s1  }
0x32: {  	s0 =	simm.s32 @!p0 $0x2  }
0x33: {  	_ =	swait.ge @!p0 [sflag:s0], s1  }
0x34: {  	s1 =	ssub.s32 @!p0 $0x0, s1;
	[sflag:s0] =	ssyncset.done @!p0 $0x0  }
0x35: {  	[sflag:s0] =	ssyncadd.s32 @!p0 s1  }
0x36: {  	[bflag:$0x3] =	sbarrier.arrive $0xFFFF  }
0x37: {  	_ =	shalt  }

</sc_bundles>
